<compile_context>
chip_gen: v7x
topology: tpu7x:2x2x1
jax: 0.10.2.dev20260603
libtpu: 0.0.44.dev20260713+nightly
codegen_flags: <defaults>
</compile_context>

<pallas_src>
import functools

import jax
import jax.numpy as jnp
from jax import lax
from jax.experimental import pallas as pl
from jax.experimental.pallas import tpu as pltpu
from jax.experimental.pallas import tpu_sc as plsc

N_NODES = 1000000
EMBED = 64
B = 16384


def _sc_gather(table, idx):
    info = plsc.get_sparse_core_info()
    nw = info.num_cores * info.num_subcores
    b_per_w = B // nw
    mesh = plsc.VectorSubcoreMesh(core_axis_name="c", subcore_axis_name="s")

    @functools.partial(
        pl.kernel,
        mesh=mesh,
        out_type=jax.ShapeDtypeStruct((B, EMBED), jnp.float32),
        scratch_types=[
            pltpu.VMEM((b_per_w,), jnp.int32),
            pltpu.VMEM((b_per_w, EMBED), jnp.float32),
            pltpu.SemaphoreType.DMA,
        ],
    )
    def k(table_hbm, idx_hbm, out_hbm, idx_v, rows_v, sem):
        wid = lax.axis_index("s") * info.num_cores + lax.axis_index("c")
        base = wid * b_per_w
        pltpu.sync_copy(idx_hbm.at[pl.ds(base, b_per_w)], idx_v)

        @pl.loop(0, b_per_w, step=16)
        def _issue(i0):
            vec = idx_v[pl.ds(i0, 16)]
            for j in range(16):
                pltpu.async_copy(
                    table_hbm.at[pl.ds(vec[j], 1), :],
                    rows_v.at[pl.ds(i0 + j, 1), :],
                    sem,
                )

        pltpu.make_async_copy(
            table_hbm.at[pl.ds(0, b_per_w), :], rows_v, sem
        ).wait()
        pltpu.sync_copy(rows_v, out_hbm.at[pl.ds(base, b_per_w)])

    return k(table, idx)


def _tc_dense(emb, sig_t, fc_w, fc_b, interpret=False):
    blk = 2048

    def body(emb_ref, sig_ref, w_ref, b_ref, out_ref):
        w = w_ref[...]
        acc = jnp.sum(emb_ref[...] * w[0, :EMBED][None, :], axis=1)
        st = sig_ref[...]
        for k in range(3):
            wk = w[0, (k + 1) * EMBED:(k + 2) * EMBED]
            acc = acc + jnp.sum(st[k] * wk[:, None], axis=0)
        out_ref[...] = jax.nn.sigmoid(acc + b_ref[0, 0])

    return pl.pallas_call(
        body,
        grid=(B // blk,),
        in_specs=[
            pl.BlockSpec((blk, EMBED), lambda i: (i, 0)),
            pl.BlockSpec((3, EMBED, blk), lambda i: (0, 0, i)),
            pl.BlockSpec((1, 4 * EMBED), lambda i: (0, 0)),
            pl.BlockSpec((1, 1), lambda i: (0, 0)),
        ],
        out_specs=pl.BlockSpec((blk,), lambda i: (i,)),
        out_shape=jax.ShapeDtypeStruct((B,), jnp.float32),
        interpret=interpret,
    )(emb, sig_t, fc_w, fc_b.reshape(1, 1))


def kernel(node_idx, signal_list, node_embed, fc_w, fc_b):
    emb = _sc_gather(node_embed, node_idx.astype(jnp.int32))
    sig_t = jnp.transpose(signal_list, (0, 2, 1))
    p = _tc_dense(emb, sig_t, fc_w, fc_b)
    return p[:, None]

# --- scband reference (transcript-rebuilt; emitter-appended) ---
"""Pipeline reference for scband-node-graph-net-40553081209629 (READ-ONLY COPY).

The authoritative reference and input builder live on the scoring server;
editing this copy changes nothing except your own understanding.
"""

import jax, jax.numpy as jnp
import numpy as np

N_NODES = 1000000
EMBED = 64
B = 16384


def setup_inputs(seed: int = 0) -> dict:
    key = jax.random.key(seed)
    k1, k2, k3, k4 = jax.random.split(key, 4)
    node_idx = jax.random.randint(k1, (B,), 0, N_NODES, dtype=jnp.int64 if jax.config.jax_enable_x64 else jnp.int32)
    signal_list = jax.random.normal(k2, (3, B, EMBED), dtype=jnp.float32)
    node_embed = jax.random.normal(k3, (N_NODES, EMBED), dtype=jnp.float32) * 0.02
    fc_w = jax.random.normal(k4, (1, EMBED * 4), dtype=jnp.float32) * 0.05
    fc_b = jnp.zeros((1,), dtype=jnp.float32)
    return {
        "node_idx": node_idx,
        "signal_list": signal_list,
        "node_embed": node_embed,
        "fc_w": fc_w,
        "fc_b": fc_b,
    }


def reference(node_idx, signal_list, node_embed, fc_w, fc_b):
    # nn.Embedding lookup -> gather rows from the table
    node_emb = jnp.take(node_embed, node_idx, axis=0)  # [B, EMBED]
    # torch.cat(signal_list, dim=1) over the 3 signals -> [B, 3*EMBED]
    b = signal_list.shape[1]
    concat_signals = jnp.transpose(signal_list, (1, 0, 2)).reshape(b, -1)
    x = jnp.concatenate([node_emb, concat_signals], axis=1)  # [B, 4*EMBED]
    logits = x @ fc_w.T + fc_b  # [B, 1]
    p_activation = jax.nn.sigmoid(logits)
    # graph mutation side-effect is stateful python bookkeeping, not tensor compute
    return p_activation

if __name__ == "__main__":
    import jax
    _d = setup_inputs()
    print(jax.jit(kernel)(*tuple(_d.values())))

</pallas_src>

<mosaic_0001>
#map = affine_map<(d0, d1) -> (0, 0)>
#map1 = affine_map<(d0, d1) -> (0)>
module attributes {stable_mosaic.version = 14 : i64} {
  func.func @k(%arg0: i32, %arg1: i32, %arg2: memref<1000000x64xf32, #tpu.memory_space<hbm>>, %arg3: memref<16384xi32, #tpu.memory_space<hbm>>, %arg4: memref<16384x64xf32, #tpu.memory_space<hbm>>, %arg5: memref<512xi32, #tpu.memory_space<vmem>>, %arg6: memref<512x64xf32, #tpu.memory_space<vmem>>, %arg7: memref<!tpu.dma_semaphore, #tpu.memory_space<semaphore_mem>>) attributes {dimension_semantics = [#tpu.dimension_semantics<core_parallel>, #tpu.dimension_semantics<subcore_parallel>], iteration_bounds = array<i64: 2, 16>, scalar_prefetch = 0 : i64, scratch_operands = 3 : i64, tpu.core_type = #tpu.core_type<sc_vector_subcore>, window_params = [{transform_indices = #map}, {transform_indices = #map1}, {transform_indices = #map}]} {
    %mul3A = arith.constant 2 : i32
    %mul3A_0 = arith.muli %arg1, %mul3A : i32
    %add3A = arith.addi %mul3A_0, %arg0 : i32
    %mul3A_1 = arith.constant 512 : i32
    %mul3A_2 = arith.muli %add3A, %mul3A_1 : i32
    "tpu.region"() ({
      %run_scoped3A = tpu.sem_alloc : memref<!tpu.dma_semaphore, #tpu.memory_space<semaphore_mem>>
      %dma_start3A = tpu.memref_slice %arg3[%mul3A_2] : memref<16384xi32, #tpu.memory_space<hbm>> -> memref<512xi32, #tpu.memory_space<hbm>>
      %dma_start3A_12 = tpu.memref_slice %arg3[%mul3A_2] : memref<16384xi32, #tpu.memory_space<hbm>> -> memref<512xi32, #tpu.memory_space<hbm>>
      tpu.enqueue_dma source(%dma_start3A_12 : memref<512xi32, #tpu.memory_space<hbm>>) target(%arg5 : memref<512xi32, #tpu.memory_space<vmem>>) target_semaphore(%run_scoped3A : memref<!tpu.dma_semaphore, #tpu.memory_space<semaphore_mem>>)
      %dma_wait3A_13 = tpu.memref_slice %arg3[%mul3A_2] : memref<16384xi32, #tpu.memory_space<hbm>> -> memref<512xi32, #tpu.memory_space<hbm>>
      %dma_wait3A_14 = tpu.memref_slice %arg3[%mul3A_2] : memref<16384xi32, #tpu.memory_space<hbm>> -> memref<512xi32, #tpu.memory_space<hbm>>
      tpu.wait_dma2 semaphore(%run_scoped3A : memref<!tpu.dma_semaphore, #tpu.memory_space<semaphore_mem>>) src(%dma_wait3A_14 : memref<512xi32, #tpu.memory_space<hbm>>) dst(%arg5 : memref<512xi32, #tpu.memory_space<vmem>>)
      tpu.yield
    }) : () -> ()
    %scan3A = arith.constant 0 : i32
    %scan3A_3 = arith.constant 32 : i32
    %scan3A_4 = arith.addi %scan3A, %scan3A_3 : i32
    %scan3A_5 = arith.constant 1 : i32
    scf.for %scan3A_12 = %scan3A to %scan3A_4 step %scan3A_5  : i32 {
      %mul3A_13 = arith.constant 16 : i32
      %mul3A_14 = arith.muli %scan3A_12, %mul3A_13 : i32
      %add3A_15 = arith.constant 0 : i32
      %add3A_16 = arith.addi %add3A_15, %mul3A_14 : i32
      %get3A = arith.index_cast %add3A_16 : i32 to index
      %get3A_17 = tpu.vector_load %arg5[%get3A] {strides = array<i32>} : memref<512xi32, #tpu.memory_space<vmem>>, vector<16xi32>,
      %get3A_18 = vector.shape_cast %get3A_17 : vector<16xi32> to vector<16xi32>
      %slice3A = vector.extract_strided_slice %get3A_18 {offsets = [0], sizes = [1], strides = [1]} : vector<16xi32> to vector<1xi32>
      %squeeze3A = vector.extract %slice3A[0] : i32 from vector<1xi32>
      %add3A_19 = arith.constant 0 : i32
      %add3A_20 = arith.addi %add3A_16, %add3A_19 : i32
      %dma_start3A = arith.constant 0 : i32
      %dma_start3A_21 = tpu.memref_slice %arg6[%add3A_20, %dma_start3A] : memref<512x64xf32, #tpu.memory_space<vmem>> -> memref<1x64xf32, #tpu.memory_space<vmem>>
      %dma_start3A_22 = arith.constant 0 : i32
      %dma_start3A_23 = tpu.memref_slice %arg2[%squeeze3A, %dma_start3A_22] : memref<1000000x64xf32, #tpu.memory_space<hbm>> -> memref<1x64xf32, #tpu.memory_space<hbm>>
      %dma_start3A_24 = arith.constant 0 : i32
      %dma_start3A_25 = tpu.memref_slice %arg6[%add3A_20, %dma_start3A_24] : memref<512x64xf32, #tpu.memory_space<vmem>> -> memref<1x64xf32, #tpu.memory_space<vmem>>
      %dma_start3A_26 = arith.constant 0 : i32
      %dma_start3A_27 = tpu.memref_slice %arg2[%squeeze3A, %dma_start3A_26] : memref<1000000x64xf32, #tpu.memory_space<hbm>> -> memref<1x64xf32, #tpu.memory_space<hbm>>
      tpu.enqueue_dma source(%dma_start3A_27 : memref<1x64xf32, #tpu.memory_space<hbm>>) target(%dma_start3A_25 : memref<1x64xf32, #tpu.memory_space<vmem>>) target_semaphore(%arg7 : memref<!tpu.dma_semaphore, #tpu.memory_space<semaphore_mem>>)
      %slice3A_28 = vector.extract_strided_slice %get3A_18 {offsets = [1], sizes = [1], strides = [1]} : vector<16xi32> to vector<1xi32>
      %squeeze3A_29 = vector.extract %slice3A_28[0] : i32 from vector<1xi32>
      %add3A_30 = arith.constant 1 : i32
      %add3A_31 = arith.addi %add3A_16, %add3A_30 : i32
      %dma_start3A_32 = arith.constant 0 : i32
      %dma_start3A_33 = tpu.memref_slice %arg6[%add3A_31, %dma_start3A_32] : memref<512x64xf32, #tpu.memory_space<vmem>> -> memref<1x64xf32, #tpu.memory_space<vmem>>
      %dma_start3A_34 = arith.constant 0 : i32
      %dma_start3A_35 = tpu.memref_slice %arg2[%squeeze3A_29, %dma_start3A_34] : memref<1000000x64xf32, #tpu.memory_space<hbm>> -> memref<1x64xf32, #tpu.memory_space<hbm>>
      %dma_start3A_36 = arith.constant 0 : i32
      %dma_start3A_37 = tpu.memref_slice %arg6[%add3A_31, %dma_start3A_36] : memref<512x64xf32, #tpu.memory_space<vmem>> -> memref<1x64xf32, #tpu.memory_space<vmem>>
      %dma_start3A_38 = arith.constant 0 : i32
      %dma_start3A_39 = tpu.memref_slice %arg2[%squeeze3A_29, %dma_start3A_38] : memref<1000000x64xf32, #tpu.memory_space<hbm>> -> memref<1x64xf32, #tpu.memory_space<hbm>>
      tpu.enqueue_dma source(%dma_start3A_39 : memref<1x64xf32, #tpu.memory_space<hbm>>) target(%dma_start3A_37 : memref<1x64xf32, #tpu.memory_space<vmem>>) target_semaphore(%arg7 : memref<!tpu.dma_semaphore, #tpu.memory_space<semaphore_mem>>)
      %slice3A_40 = vector.extract_strided_slice %get3A_18 {offsets = [2], sizes = [1], strides = [1]} : vector<16xi32> to vector<1xi32>
      %squeeze3A_41 = vector.extract %slice3A_40[0] : i32 from vector<1xi32>
      %add3A_42 = arith.constant 2 : i32
      %add3A_43 = arith.addi %add3A_16, %add3A_42 : i32
      %dma_start3A_44 = arith.constant 0 : i32
      %dma_start3A_45 = tpu.memref_slice %arg6[%add3A_43, %dma_start3A_44] : memref<512x64xf32, #tpu.memory_space<vmem>> -> memref<1x64xf32, #tpu.memory_space<vmem>>
      %dma_start3A_46 = arith.constant 0 : i32
      %dma_start3A_47 = tpu.memref_slice %arg2[%squeeze3A_41, %dma_start3A_46] : memref<1000000x64xf32, #tpu.memory_space<hbm>> -> memref<1x64xf32, #tpu.memory_space<hbm>>
      %dma_start3A_48 = arith.constant 0 : i32
      %dma_start3A_49 = tpu.memref_slice %arg6[%add3A_43, %dma_start3A_48] : memref<512x64xf32, #tpu.memory_space<vmem>> -> memref<1x64xf32, #tpu.memory_space<vmem>>
      %dma_start3A_50 = arith.constant 0 : i32
      %dma_start3A_51 = tpu.memref_slice %arg2[%squeeze3A_41, %dma_start3A_50] : memref<1000000x64xf32, #tpu.memory_space<hbm>> -> memref<1x64xf32, #tpu.memory_space<hbm>>
      tpu.enqueue_dma source(%dma_start3A_51 : memref<1x64xf32, #tpu.memory_space<hbm>>) target(%dma_start3A_49 : memref<1x64xf32, #tpu.memory_space<vmem>>) target_semaphore(%arg7 : memref<!tpu.dma_semaphore, #tpu.memory_space<semaphore_mem>>)
      %slice3A_52 = vector.extract_strided_slice %get3A_18 {offsets = [3], sizes = [1], strides = [1]} : vector<16xi32> to vector<1xi32>
      %squeeze3A_53 = vector.extract %slice3A_52[0] : i32 from vector<1xi32>
      %add3A_54 = arith.constant 3 : i32
      %add3A_55 = arith.addi %add3A_16, %add3A_54 : i32
      %dma_start3A_56 = arith.constant 0 : i32
      %dma_start3A_57 = tpu.memref_slice %arg6[%add3A_55, %dma_start3A_56] : memref<512x64xf32, #tpu.memory_space<vmem>> -> memref<1x64xf32, #tpu.memory_space<vmem>>
      %dma_start3A_58 = arith.constant 0 : i32
      %dma_start3A_59 = tpu.memref_slice %arg2[%squeeze3A_53, %dma_start3A_58] : memref<1000000x64xf32, #tpu.memory_space<hbm>> -> memref<1x64xf32, #tpu.memory_space<hbm>>
      %dma_start3A_60 = arith.constant 0 : i32
      %dma_start3A_61 = tpu.memref_slice %arg6[%add3A_55, %dma_start3A_60] : memref<512x64xf32, #tpu.memory_space<vmem>> -> memref<1x64xf32, #tpu.memory_space<vmem>>
      %dma_start3A_62 = arith.constant 0 : i32
      %dma_start3A_63 = tpu.memref_slice %arg2[%squeeze3A_53, %dma_start3A_62] : memref<1000000x64xf32, #tpu.memory_space<hbm>> -> memref<1x64xf32, #tpu.memory_space<hbm>>
      tpu.enqueue_dma source(%dma_start3A_63 : memref<1x64xf32, #tpu.memory_space<hbm>>) target(%dma_start3A_61 : memref<1x64xf32, #tpu.memory_space<vmem>>) target_semaphore(%arg7 : memref<!tpu.dma_semaphore, #tpu.memory_space<semaphore_mem>>)
      %slice3A_64 = vector.extract_strided_slice %get3A_18 {offsets = [4], sizes = [1], strides = [1]} : vector<16xi32> to vector<1xi32>
      %squeeze3A_65 = vector.extract %slice3A_64[0] : i32 from vector<1xi32>
      %add3A_66 = arith.constant 4 : i32
      %add3A_67 = arith.addi %add3A_16, %add3A_66 : i32
      %dma_start3A_68 = arith.constant 0 : i32
      %dma_start3A_69 = tpu.memref_slice %arg6[%add3A_67, %dma_start3A_68] : memref<512x64xf32, #tpu.memory_space<vmem>> -> memref<1x64xf32, #tpu.memory_space<vmem>>
      %dma_start3A_70 = arith.constant 0 : i32
      %dma_start3A_71 = tpu.memref_slice %arg2[%squeeze3A_65, %dma_start3A_70] : memref<1000000x64xf32, #tpu.memory_space<hbm>> -> memref<1x64xf32, #tpu.memory_space<hbm>>
      %dma_start3A_72 = arith.constant 0 : i32
      %dma_start3A_73 = tpu.memref_slice %arg6[%add3A_67, %dma_start3A_72] : memref<512x64xf32, #tpu.memory_space<vmem>> -> memref<1x64xf32, #tpu.memory_space<vmem>>
      %dma_start3A_74 = arith.constant 0 : i32
      %dma_start3A_75 = tpu.memref_slice %arg2[%squeeze3A_65, %dma_start3A_74] : memref<1000000x64xf32, #tpu.memory_space<hbm>> -> memref<1x64xf32, #tpu.memory_space<hbm>>
      tpu.enqueue_dma source(%dma_start3A_75 : memref<1x64xf32, #tpu.memory_space<hbm>>) target(%dma_start3A_73 : memref<1x64xf32, #tpu.memory_space<vmem>>) target_semaphore(%arg7 : memref<!tpu.dma_semaphore, #tpu.memory_space<semaphore_mem>>)
      %slice3A_76 = vector.extract_strided_slice %get3A_18 {offsets = [5], sizes = [1], strides = [1]} : vector<16xi32> to vector<1xi32>
      %squeeze3A_77 = vector.extract %slice3A_76[0] : i32 from vector<1xi32>
      %add3A_78 = arith.constant 5 : i32
      %add3A_79 = arith.addi %add3A_16, %add3A_78 : i32
      %dma_start3A_80 = arith.constant 0 : i32
      %dma_start3A_81 = tpu.memref_slice %arg6[%add3A_79, %dma_start3A_80] : memref<512x64xf32, #tpu.memory_space<vmem>> -> memref<1x64xf32, #tpu.memory_space<vmem>>
      %dma_start3A_82 = arith.constant 0 : i32
      %dma_start3A_83 = tpu.memref_slice %arg2[%squeeze3A_77, %dma_start3A_82] : memref<1000000x64xf32, #tpu.memory_space<hbm>> -> memref<1x64xf32, #tpu.memory_space<hbm>>
      %dma_start3A_84 = arith.constant 0 : i32
      %dma_start3A_85 = tpu.memref_slice %arg6[%add3A_79, %dma_start3A_84] : memref<512x64xf32, #tpu.memory_space<vmem>> -> memref<1x64xf32, #tpu.memory_space<vmem>>
      %dma_start3A_86 = arith.constant 0 : i32
      %dma_start3A_87 = tpu.memref_slice %arg2[%squeeze3A_77, %dma_start3A_86] : memref<1000000x64xf32, #tpu.memory_space<hbm>> -> memref<1x64xf32, #tpu.memory_space<hbm>>
      tpu.enqueue_dma source(%dma_start3A_87 : memref<1x64xf32, #tpu.memory_space<hbm>>) target(%dma_start3A_85 : memref<1x64xf32, #tpu.memory_space<vmem>>) target_semaphore(%arg7 : memref<!tpu.dma_semaphore, #tpu.memory_space<semaphore_mem>>)
      %slice3A_88 = vector.extract_strided_slice %get3A_18 {offsets = [6], sizes = [1], strides = [1]} : vector<16xi32> to vector<1xi32>
      %squeeze3A_89 = vector.extract %slice3A_88[0] : i32 from vector<1xi32>
      %add3A_90 = arith.constant 6 : i32
      %add3A_91 = arith.addi %add3A_16, %add3A_90 : i32
      %dma_start3A_92 = arith.constant 0 : i32
      %dma_start3A_93 = tpu.memref_slice %arg6[%add3A_91, %dma_start3A_92] : memref<512x64xf32, #tpu.memory_space<vmem>> -> memref<1x64xf32, #tpu.memory_space<vmem>>
      %dma_start3A_94 = arith.constant 0 : i32
      %dma_start3A_95 = tpu.memref_slice %arg2[%squeeze3A_89, %dma_start3A_94] : memref<1000000x64xf32, #tpu.memory_space<hbm>> -> memref<1x64xf32, #tpu.memory_space<hbm>>
      %dma_start3A_96 = arith.constant 0 : i32
      %dma_start3A_97 = tpu.memref_slice %arg6[%add3A_91, %dma_start3A_96] : memref<512x64xf32, #tpu.memory_space<vmem>> -> memref<1x64xf32, #tpu.memory_space<vmem>>
      %dma_start3A_98 = arith.constant 0 : i32
      %dma_start3A_99 = tpu.memref_slice %arg2[%squeeze3A_89, %dma_start3A_98] : memref<1000000x64xf32, #tpu.memory_space<hbm>> -> memref<1x64xf32, #tpu.memory_space<hbm>>
      tpu.enqueue_dma source(%dma_start3A_99 : memref<1x64xf32, #tpu.memory_space<hbm>>) target(%dma_start3A_97 : memref<1x64xf32, #tpu.memory_space<vmem>>) target_semaphore(%arg7 : memref<!tpu.dma_semaphore, #tpu.memory_space<semaphore_mem>>)
      %slice3A_100 = vector.extract_strided_slice %get3A_18 {offsets = [7], sizes = [1], strides = [1]} : vector<16xi32> to vector<1xi32>
      %squeeze3A_101 = vector.extract %slice3A_100[0] : i32 from vector<1xi32>
      %add3A_102 = arith.constant 7 : i32
      %add3A_103 = arith.addi %add3A_16, %add3A_102 : i32
      %dma_start3A_104 = arith.constant 0 : i32
      %dma_start3A_105 = tpu.memref_slice %arg6[%add3A_103, %dma_start3A_104] : memref<512x64xf32, #tpu.memory_space<vmem>> -> memref<1x64xf32, #tpu.memory_space<vmem>>
      %dma_start3A_106 = arith.constant 0 : i32
      %dma_start3A_107 = tpu.memref_slice %arg2[%squeeze3A_101, %dma_start3A_106] : memref<1000000x64xf32, #tpu.memory_space<hbm>> -> memref<1x64xf32, #tpu.memory_space<hbm>>
      %dma_start3A_108 = arith.constant 0 : i32
      %dma_start3A_109 = tpu.memref_slice %arg6[%add3A_103, %dma_start3A_108] : memref<512x64xf32, #tpu.memory_space<vmem>> -> memref<1x64xf32, #tpu.memory_space<vmem>>
      %dma_start3A_110 = arith.constant 0 : i32
      %dma_start3A_111 = tpu.memref_slice %arg2[%squeeze3A_101, %dma_start3A_110] : memref<1000000x64xf32, #tpu.memory_space<hbm>> -> memref<1x64xf32, #tpu.memory_space<hbm>>
      tpu.enqueue_dma source(%dma_start3A_111 : memref<1x64xf32, #tpu.memory_space<hbm>>) target(%dma_start3A_109 : memref<1x64xf32, #tpu.memory_space<vmem>>) target_semaphore(%arg7 : memref<!tpu.dma_semaphore, #tpu.memory_space<semaphore_mem>>)
      %slice3A_112 = vector.extract_strided_slice %get3A_18 {offsets = [8], sizes = [1], strides = [1]} : vector<16xi32> to vector<1xi32>
      %squeeze3A_113 = vector.extract %slice3A_112[0] : i32 from vector<1xi32>
      %add3A_114 = arith.constant 8 : i32
      %add3A_115 = arith.addi %add3A_16, %add3A_114 : i32
      %dma_start3A_116 = arith.constant 0 : i32
      %dma_start3A_117 = tpu.memref_slice %arg6[%add3A_115, %dma_start3A_116] : memref<512x64xf32, #tpu.memory_space<vmem>> -> memref<1x64xf32, #tpu.memory_space<vmem>>
      %dma_start3A_118 = arith.constant 0 : i32
      %dma_start3A_119 = tpu.memref_slice %arg2[%squeeze3A_113, %dma_start3A_118] : memref<1000000x64xf32, #tpu.memory_space<hbm>> -> memref<1x64xf32, #tpu.memory_space<hbm>>
      %dma_start3A_120 = arith.constant 0 : i32
      %dma_start3A_121 = tpu.memref_slice %arg6[%add3A_115, %dma_start3A_120] : memref<512x64xf32, #tpu.memory_space<vmem>> -> memref<1x64xf32, #tpu.memory_space<vmem>>
      %dma_start3A_122 = arith.constant 0 : i32
      %dma_start3A_123 = tpu.memref_slice %arg2[%squeeze3A_113, %dma_start3A_122] : memref<1000000x64xf32, #tpu.memory_space<hbm>> -> memref<1x64xf32, #tpu.memory_space<hbm>>
      tpu.enqueue_dma source(%dma_start3A_123 : memref<1x64xf32, #tpu.memory_space<hbm>>) target(%dma_start3A_121 : memref<1x64xf32, #tpu.memory_space<vmem>>) target_semaphore(%arg7 : memref<!tpu.dma_semaphore, #tpu.memory_space<semaphore_mem>>)
      %slice3A_124 = vector.extract_strided_slice %get3A_18 {offsets = [9], sizes = [1], strides = [1]} : vector<16xi32> to vector<1xi32>
      %squeeze3A_125 = vector.extract %slice3A_124[0] : i32 from vector<1xi32>
      %add3A_126 = arith.constant 9 : i32
      %add3A_127 = arith.addi %add3A_16, %add3A_126 : i32
      %dma_start3A_128 = arith.constant 0 : i32
      %dma_start3A_129 = tpu.memref_slice %arg6[%add3A_127, %dma_start3A_128] : memref<512x64xf32, #tpu.memory_space<vmem>> -> memref<1x64xf32, #tpu.memory_space<vmem>>
      %dma_start3A_130 = arith.constant 0 : i32
      %dma_start3A_131 = tpu.memref_slice %arg2[%squeeze3A_125, %dma_start3A_130] : memref<1000000x64xf32, #tpu.memory_space<hbm>> -> memref<1x64xf32, #tpu.memory_space<hbm>>
      %dma_start3A_132 = arith.constant 0 : i32
      %dma_start3A_133 = tpu.memref_slice %arg6[%add3A_127, %dma_start3A_132] : memref<512x64xf32, #tpu.memory_space<vmem>> -> memref<1x64xf32, #tpu.memory_space<vmem>>
      %dma_start3A_134 = arith.constant 0 : i32
      %dma_start3A_135 = tpu.memref_slice %arg2[%squeeze3A_125, %dma_start3A_134] : memref<1000000x64xf32, #tpu.memory_space<hbm>> -> memref<1x64xf32, #tpu.memory_space<hbm>>
      tpu.enqueue_dma source(%dma_start3A_135 : memref<1x64xf32, #tpu.memory_space<hbm>>) target(%dma_start3A_133 : memref<1x64xf32, #tpu.memory_space<vmem>>) target_semaphore(%arg7 : memref<!tpu.dma_semaphore, #tpu.memory_space<semaphore_mem>>)
      %slice3A_136 = vector.extract_strided_slice %get3A_18 {offsets = [10], sizes = [1], strides = [1]} : vector<16xi32> to vector<1xi32>
      %squeeze3A_137 = vector.extract %slice3A_136[0] : i32 from vector<1xi32>
      %add3A_138 = arith.constant 10 : i32
      %add3A_139 = arith.addi %add3A_16, %add3A_138 : i32
      %dma_start3A_140 = arith.constant 0 : i32
      %dma_start3A_141 = tpu.memref_slice %arg6[%add3A_139, %dma_start3A_140] : memref<512x64xf32, #tpu.memory_space<vmem>> -> memref<1x64xf32, #tpu.memory_space<vmem>>
      %dma_start3A_142 = arith.constant 0 : i32
      %dma_start3A_143 = tpu.memref_slice %arg2[%squeeze3A_137, %dma_start3A_142] : memref<1000000x64xf32, #tpu.memory_space<hbm>> -> memref<1x64xf32, #tpu.memory_space<hbm>>
      %dma_start3A_144 = arith.constant 0 : i32
      %dma_start3A_145 = tpu.memref_slice %arg6[%add3A_139, %dma_start3A_144] : memref<512x64xf32, #tpu.memory_space<vmem>> -> memref<1x64xf32, #tpu.memory_space<vmem>>
      %dma_start3A_146 = arith.constant 0 : i32
      %dma_start3A_147 = tpu.memref_slice %arg2[%squeeze3A_137, %dma_start3A_146] : memref<1000000x64xf32, #tpu.memory_space<hbm>> -> memref<1x64xf32, #tpu.memory_space<hbm>>
      tpu.enqueue_dma source(%dma_start3A_147 : memref<1x64xf32, #tpu.memory_space<hbm>>) target(%dma_start3A_145 : memref<1x64xf32, #tpu.memory_space<vmem>>) target_semaphore(%arg7 : memref<!tpu.dma_semaphore, #tpu.memory_space<semaphore_mem>>)
      %slice3A_148 = vector.extract_strided_slice %get3A_18 {offsets = [11], sizes = [1], strides = [1]} : vector<16xi32> to vector<1xi32>
      %squeeze3A_149 = vector.extract %slice3A_148[0] : i32 from vector<1xi32>
      %add3A_150 = arith.constant 11 : i32
      %add3A_151 = arith.addi %add3A_16, %add3A_150 : i32
      %dma_start3A_152 = arith.constant 0 : i32
      %dma_start3A_153 = tpu.memref_slice %arg6[%add3A_151, %dma_start3A_152] : memref<512x64xf32, #tpu.memory_space<vmem>> -> memref<1x64xf32, #tpu.memory_space<vmem>>
      %dma_start3A_154 = arith.constant 0 : i32
      %dma_start3A_155 = tpu.memref_slice %arg2[%squeeze3A_149, %dma_start3A_154] : memref<1000000x64xf32, #tpu.memory_space<hbm>> -> memref<1x64xf32, #tpu.memory_space<hbm>>
      %dma_start3A_156 = arith.constant 0 : i32
      %dma_start3A_157 = tpu.memref_slice %arg6[%add3A_151, %dma_start3A_156] : memref<512x64xf32, #tpu.memory_space<vmem>> -> memref<1x64xf32, #tpu.memory_space<vmem>>
      %dma_start3A_158 = arith.constant 0 : i32
      %dma_start3A_159 = tpu.memref_slice %arg2[%squeeze3A_149, %dma_start3A_158] : memref<1000000x64xf32, #tpu.memory_space<hbm>> -> memref<1x64xf32, #tpu.memory_space<hbm>>
      tpu.enqueue_dma source(%dma_start3A_159 : memref<1x64xf32, #tpu.memory_space<hbm>>) target(%dma_start3A_157 : memref<1x64xf32, #tpu.memory_space<vmem>>) target_semaphore(%arg7 : memref<!tpu.dma_semaphore, #tpu.memory_space<semaphore_mem>>)
      %slice3A_160 = vector.extract_strided_slice %get3A_18 {offsets = [12], sizes = [1], strides = [1]} : vector<16xi32> to vector<1xi32>
      %squeeze3A_161 = vector.extract %slice3A_160[0] : i32 from vector<1xi32>
      %add3A_162 = arith.constant 12 : i32
      %add3A_163 = arith.addi %add3A_16, %add3A_162 : i32
      %dma_start3A_164 = arith.constant 0 : i32
      %dma_start3A_165 = tpu.memref_slice %arg6[%add3A_163, %dma_start3A_164] : memref<512x64xf32, #tpu.memory_space<vmem>> -> memref<1x64xf32, #tpu.memory_space<vmem>>
      %dma_start3A_166 = arith.constant 0 : i32
      %dma_start3A_167 = tpu.memref_slice %arg2[%squeeze3A_161, %dma_start3A_166] : memref<1000000x64xf32, #tpu.memory_space<hbm>> -> memref<1x64xf32, #tpu.memory_space<hbm>>
      %dma_start3A_168 = arith.constant 0 : i32
      %dma_start3A_169 = tpu.memref_slice %arg6[%add3A_163, %dma_start3A_168] : memref<512x64xf32, #tpu.memory_space<vmem>> -> memref<1x64xf32, #tpu.memory_space<vmem>>
      %dma_start3A_170 = arith.constant 0 : i32
      %dma_start3A_171 = tpu.memref_slice %arg2[%squeeze3A_161, %dma_start3A_170] : memref<1000000x64xf32, #tpu.memory_space<hbm>> -> memref<1x64xf32, #tpu.memory_space<hbm>>
      tpu.enqueue_dma source(%dma_start3A_171 : memref<1x64xf32, #tpu.memory_space<hbm>>) target(%dma_start3A_169 : memref<1x64xf32, #tpu.memory_space<vmem>>) target_semaphore(%arg7 : memref<!tpu.dma_semaphore, #tpu.memory_space<semaphore_mem>>)
      %slice3A_172 = vector.extract_strided_slice %get3A_18 {offsets = [13], sizes = [1], strides = [1]} : vector<16xi32> to vector<1xi32>
      %squeeze3A_173 = vector.extract %slice3A_172[0] : i32 from vector<1xi32>
      %add3A_174 = arith.constant 13 : i32
      %add3A_175 = arith.addi %add3A_16, %add3A_174 : i32
      %dma_start3A_176 = arith.constant 0 : i32
      %dma_start3A_177 = tpu.memref_slice %arg6[%add3A_175, %dma_start3A_176] : memref<512x64xf32, #tpu.memory_space<vmem>> -> memref<1x64xf32, #tpu.memory_space<vmem>>
      %dma_start3A_178 = arith.constant 0 : i32
      %dma_start3A_179 = tpu.memref_slice %arg2[%squeeze3A_173, %dma_start3A_178] : memref<1000000x64xf32, #tpu.memory_space<hbm>> -> memref<1x64xf32, #tpu.memory_space<hbm>>
      %dma_start3A_180 = arith.constant 0 : i32
      %dma_start3A_181 = tpu.memref_slice %arg6[%add3A_175, %dma_start3A_180] : memref<512x64xf32, #tpu.memory_space<vmem>> -> memref<1x64xf32, #tpu.memory_space<vmem>>
      %dma_start3A_182 = arith.constant 0 : i32
      %dma_start3A_183 = tpu.memref_slice %arg2[%squeeze3A_173, %dma_start3A_182] : memref<1000000x64xf32, #tpu.memory_space<hbm>> -> memref<1x64xf32, #tpu.memory_space<hbm>>
      tpu.enqueue_dma source(%dma_start3A_183 : memref<1x64xf32, #tpu.memory_space<hbm>>) target(%dma_start3A_181 : memref<1x64xf32, #tpu.memory_space<vmem>>) target_semaphore(%arg7 : memref<!tpu.dma_semaphore, #tpu.memory_space<semaphore_mem>>)
      %slice3A_184 = vector.extract_strided_slice %get3A_18 {offsets = [14], sizes = [1], strides = [1]} : vector<16xi32> to vector<1xi32>
      %squeeze3A_185 = vector.extract %slice3A_184[0] : i32 from vector<1xi32>
      %add3A_186 = arith.constant 14 : i32
      %add3A_187 = arith.addi %add3A_16, %add3A_186 : i32
      %dma_start3A_188 = arith.constant 0 : i32
      %dma_start3A_189 = tpu.memref_slice %arg6[%add3A_187, %dma_start3A_188] : memref<512x64xf32, #tpu.memory_space<vmem>> -> memref<1x64xf32, #tpu.memory_space<vmem>>
      %dma_start3A_190 = arith.constant 0 : i32
      %dma_start3A_191 = tpu.memref_slice %arg2[%squeeze3A_185, %dma_start3A_190] : memref<1000000x64xf32, #tpu.memory_space<hbm>> -> memref<1x64xf32, #tpu.memory_space<hbm>>
      %dma_start3A_192 = arith.constant 0 : i32
      %dma_start3A_193 = tpu.memref_slice %arg6[%add3A_187, %dma_start3A_192] : memref<512x64xf32, #tpu.memory_space<vmem>> -> memref<1x64xf32, #tpu.memory_space<vmem>>
      %dma_start3A_194 = arith.constant 0 : i32
      %dma_start3A_195 = tpu.memref_slice %arg2[%squeeze3A_185, %dma_start3A_194] : memref<1000000x64xf32, #tpu.memory_space<hbm>> -> memref<1x64xf32, #tpu.memory_space<hbm>>
      tpu.enqueue_dma source(%dma_start3A_195 : memref<1x64xf32, #tpu.memory_space<hbm>>) target(%dma_start3A_193 : memref<1x64xf32, #tpu.memory_space<vmem>>) target_semaphore(%arg7 : memref<!tpu.dma_semaphore, #tpu.memory_space<semaphore_mem>>)
      %slice3A_196 = vector.extract_strided_slice %get3A_18 {offsets = [15], sizes = [1], strides = [1]} : vector<16xi32> to vector<1xi32>
      %squeeze3A_197 = vector.extract %slice3A_196[0] : i32 from vector<1xi32>
      %add3A_198 = arith.constant 15 : i32
      %add3A_199 = arith.addi %add3A_16, %add3A_198 : i32
      %dma_start3A_200 = arith.constant 0 : i32
      %dma_start3A_201 = tpu.memref_slice %arg6[%add3A_199, %dma_start3A_200] : memref<512x64xf32, #tpu.memory_space<vmem>> -> memref<1x64xf32, #tpu.memory_space<vmem>>
      %dma_start3A_202 = arith.constant 0 : i32
      %dma_start3A_203 = tpu.memref_slice %arg2[%squeeze3A_197, %dma_start3A_202] : memref<1000000x64xf32, #tpu.memory_space<hbm>> -> memref<1x64xf32, #tpu.memory_space<hbm>>
      %dma_start3A_204 = arith.constant 0 : i32
      %dma_start3A_205 = tpu.memref_slice %arg6[%add3A_199, %dma_start3A_204] : memref<512x64xf32, #tpu.memory_space<vmem>> -> memref<1x64xf32, #tpu.memory_space<vmem>>
      %dma_start3A_206 = arith.constant 0 : i32
      %dma_start3A_207 = tpu.memref_slice %arg2[%squeeze3A_197, %dma_start3A_206] : memref<1000000x64xf32, #tpu.memory_space<hbm>> -> memref<1x64xf32, #tpu.memory_space<hbm>>
      tpu.enqueue_dma source(%dma_start3A_207 : memref<1x64xf32, #tpu.memory_space<hbm>>) target(%dma_start3A_205 : memref<1x64xf32, #tpu.memory_space<vmem>>) target_semaphore(%arg7 : memref<!tpu.dma_semaphore, #tpu.memory_space<semaphore_mem>>)
    }
    %scan3A_6 = arith.constant 32 : i32
    %dma_wait3A = arith.constant 0 : i32
    %dma_wait3A_7 = arith.constant 0 : i32
    %dma_wait3A_8 = tpu.memref_slice %arg2[%dma_wait3A, %dma_wait3A_7] : memref<1000000x64xf32, #tpu.memory_space<hbm>> -> memref<512x64xf32, #tpu.memory_space<hbm>>
    %dma_wait3A_9 = arith.constant 0 : i32
    %dma_wait3A_10 = arith.constant 0 : i32
    %dma_wait3A_11 = tpu.memref_slice %arg2[%dma_wait3A_9, %dma_wait3A_10] : memref<1000000x64xf32, #tpu.memory_space<hbm>> -> memref<512x64xf32, #tpu.memory_space<hbm>>
    tpu.wait_dma2 semaphore(%arg7 : memref<!tpu.dma_semaphore, #tpu.memory_space<semaphore_mem>>) src(%dma_wait3A_11 : memref<512x64xf32, #tpu.memory_space<hbm>>) dst(%arg6 : memref<512x64xf32, #tpu.memory_space<vmem>>)
    "tpu.region"() ({
      %run_scoped3A = tpu.sem_alloc : memref<!tpu.dma_semaphore, #tpu.memory_space<semaphore_mem>>
      %dma_start3A = arith.constant 0 : i32
      %dma_start3A_12 = tpu.memref_slice %arg4[%mul3A_2, %dma_start3A] : memref<16384x64xf32, #tpu.memory_space<hbm>> -> memref<512x64xf32, #tpu.memory_space<hbm>>
      %dma_start3A_13 = arith.constant 0 : i32
      %dma_start3A_14 = tpu.memref_slice %arg4[%mul3A_2, %dma_start3A_13] : memref<16384x64xf32, #tpu.memory_space<hbm>> -> memref<512x64xf32, #tpu.memory_space<hbm>>
      tpu.enqueue_dma source(%arg6 : memref<512x64xf32, #tpu.memory_space<vmem>>) target(%dma_start3A_14 : memref<512x64xf32, #tpu.memory_space<hbm>>) target_semaphore(%run_scoped3A : memref<!tpu.dma_semaphore, #tpu.memory_space<semaphore_mem>>)
      %dma_wait3A_15 = arith.constant 0 : i32
      %dma_wait3A_16 = tpu.memref_slice %arg4[%mul3A_2, %dma_wait3A_15] : memref<16384x64xf32, #tpu.memory_space<hbm>> -> memref<512x64xf32, #tpu.memory_space<hbm>>
      %dma_wait3A_17 = arith.constant 0 : i32
      %dma_wait3A_18 = tpu.memref_slice %arg4[%mul3A_2, %dma_wait3A_17] : memref<16384x64xf32, #tpu.memory_space<hbm>> -> memref<512x64xf32, #tpu.memory_space<hbm>>
      tpu.wait_dma2 semaphore(%run_scoped3A : memref<!tpu.dma_semaphore, #tpu.memory_space<semaphore_mem>>) src(%arg6 : memref<512x64xf32, #tpu.memory_space<vmem>>) dst(%dma_wait3A_18 : memref<512x64xf32, #tpu.memory_space<hbm>>)
      tpu.yield
    }) : () -> ()
    return
  }
}

module attributes {stable_mosaic.version = 14 : i64} {
  func.func @body(%arg0: i32, %arg1: memref<2048x64xf32, #tpu.memory_space<vmem>>, %arg2: memref<3x64x2048xf32, #tpu.memory_space<vmem>>, %arg3: memref<1x256xf32, #tpu.memory_space<vmem>>, %arg4: memref<1x1xf32, #tpu.memory_space<vmem>>, %arg5: memref<2048xf32, #tpu.memory_space<vmem>>) attributes {dimension_semantics = [#tpu.dimension_semantics<arbitrary>], iteration_bounds = array<i64: 8>, scalar_prefetch = 0 : i64, scratch_operands = 0 : i64, tpu.core_type = #tpu.core_type<tc>, window_params = [{transform_indices = @transform_0, window_bounds = array<i64: 2048, 64>}, {transform_indices = @transform_1, window_bounds = array<i64: 3, 64, 2048>}, {pipeline_mode = #tpu.pipeline_mode<synchronous>, transform_indices = @transform_2, window_bounds = array<i64: 1, 256>}, {pipeline_mode = #tpu.pipeline_mode<synchronous>, transform_indices = @transform_3, window_bounds = array<i64: 1, 1>}, {transform_indices = @transform_4, window_bounds = array<i64: 2048>}]} {
    %get3A = arith.constant 0 : index
    %get3A_0 = arith.constant 0 : index
    %get3A_1 = vector.load %arg3[%get3A, %get3A_0] : memref<1x256xf32, #tpu.memory_space<vmem>>, vector<1x256xf32>
    %get3A_2 = arith.constant 0 : index
    %get3A_3 = arith.constant 0 : index
    %get3A_4 = vector.load %arg1[%get3A_2, %get3A_3] : memref<2048x64xf32, #tpu.memory_space<vmem>>, vector<2048x64xf32>
    %slice3A = vector.extract_strided_slice %get3A_1 {offsets = [0, 0], sizes = [1, 64], strides = [1, 1]} : vector<1x256xf32> to vector<1x64xf32>
    %squeeze3A = vector.shape_cast %slice3A : vector<1x64xf32> to vector<64xf32>
    %broadcast_in_dim3A = vector.shape_cast %squeeze3A : vector<64xf32> to vector<1x64xf32>
    %mul3A = vector.broadcast %broadcast_in_dim3A : vector<1x64xf32> to vector<2048x64xf32>
    %mul3A_5 = arith.mulf %get3A_4, %mul3A : vector<2048x64xf32>
    %reduce_sum3A = arith.constant dense<0.000000e+00> : vector<2048xf32>
    %reduce_sum3A_6 = vector.multi_reduction <add>, %mul3A_5, %reduce_sum3A [1] : vector<2048x64xf32> to vector<2048xf32>
    %get3A_7 = arith.constant 0 : index
    %get3A_8 = arith.constant 0 : index
    %get3A_9 = arith.constant 0 : index
    %get3A_10 = vector.load %arg2[%get3A_7, %get3A_8, %get3A_9] : memref<3x64x2048xf32, #tpu.memory_space<vmem>>, vector<3x64x2048xf32>
    %slice3A_11 = vector.extract_strided_slice %get3A_1 {offsets = [0, 64], sizes = [1, 64], strides = [1, 1]} : vector<1x256xf32> to vector<1x64xf32>
    %squeeze3A_12 = vector.shape_cast %slice3A_11 : vector<1x64xf32> to vector<64xf32>
    %slice3A_13 = vector.extract_strided_slice %get3A_10 {offsets = [0, 0, 0], sizes = [1, 64, 2048], strides = [1, 1, 1]} : vector<3x64x2048xf32> to vector<1x64x2048xf32>
    %squeeze3A_14 = vector.shape_cast %slice3A_13 : vector<1x64x2048xf32> to vector<64x2048xf32>
    %broadcast_in_dim3A_15 = vector.shape_cast %squeeze3A_12 : vector<64xf32> to vector<64x1xf32>
    %mul3A_16 = vector.broadcast %broadcast_in_dim3A_15 : vector<64x1xf32> to vector<64x2048xf32>
    %mul3A_17 = arith.mulf %squeeze3A_14, %mul3A_16 : vector<64x2048xf32>
    %reduce_sum3A_18 = arith.constant dense<0.000000e+00> : vector<2048xf32>
    %reduce_sum3A_19 = vector.multi_reduction <add>, %mul3A_17, %reduce_sum3A_18 [0] : vector<64x2048xf32> to vector<2048xf32>
    %add3A = arith.addf %reduce_sum3A_6, %reduce_sum3A_19 : vector<2048xf32>
    %slice3A_20 = vector.extract_strided_slice %get3A_1 {offsets = [0, 128], sizes = [1, 64], strides = [1, 1]} : vector<1x256xf32> to vector<1x64xf32>
    %squeeze3A_21 = vector.shape_cast %slice3A_20 : vector<1x64xf32> to vector<64xf32>
    %slice3A_22 = vector.extract_strided_slice %get3A_10 {offsets = [1, 0, 0], sizes = [1, 64, 2048], strides = [1, 1, 1]} : vector<3x64x2048xf32> to vector<1x64x2048xf32>
    %squeeze3A_23 = vector.shape_cast %slice3A_22 : vector<1x64x2048xf32> to vector<64x2048xf32>
    %broadcast_in_dim3A_24 = vector.shape_cast %squeeze3A_21 : vector<64xf32> to vector<64x1xf32>
    %mul3A_25 = vector.broadcast %broadcast_in_dim3A_24 : vector<64x1xf32> to vector<64x2048xf32>
    %mul3A_26 = arith.mulf %squeeze3A_23, %mul3A_25 : vector<64x2048xf32>
    %reduce_sum3A_27 = arith.constant dense<0.000000e+00> : vector<2048xf32>
    %reduce_sum3A_28 = vector.multi_reduction <add>, %mul3A_26, %reduce_sum3A_27 [0] : vector<64x2048xf32> to vector<2048xf32>
    %add3A_29 = arith.addf %add3A, %reduce_sum3A_28 : vector<2048xf32>
    %slice3A_30 = vector.extract_strided_slice %get3A_1 {offsets = [0, 192], sizes = [1, 64], strides = [1, 1]} : vector<1x256xf32> to vector<1x64xf32>
    %squeeze3A_31 = vector.shape_cast %slice3A_30 : vector<1x64xf32> to vector<64xf32>
    %slice3A_32 = vector.extract_strided_slice %get3A_10 {offsets = [2, 0, 0], sizes = [1, 64, 2048], strides = [1, 1, 1]} : vector<3x64x2048xf32> to vector<1x64x2048xf32>
    %squeeze3A_33 = vector.shape_cast %slice3A_32 : vector<1x64x2048xf32> to vector<64x2048xf32>
    %broadcast_in_dim3A_34 = vector.shape_cast %squeeze3A_31 : vector<64xf32> to vector<64x1xf32>
    %mul3A_35 = vector.broadcast %broadcast_in_dim3A_34 : vector<64x1xf32> to vector<64x2048xf32>
    %mul3A_36 = arith.mulf %squeeze3A_33, %mul3A_35 : vector<64x2048xf32>
    %reduce_sum3A_37 = arith.constant dense<0.000000e+00> : vector<2048xf32>
    %reduce_sum3A_38 = vector.multi_reduction <add>, %mul3A_36, %reduce_sum3A_37 [0] : vector<64x2048xf32> to vector<2048xf32>
    %add3A_39 = arith.addf %add3A_29, %reduce_sum3A_38 : vector<2048xf32>
    %get3A_40 = arith.constant 0 : index
    %get3A_41 = arith.constant 0 : index
    %get3A_42 = vector.load %arg4[%get3A_40, %get3A_41] : memref<1x1xf32, #tpu.memory_space<vmem>>, vector<1x1xf32>
    %get3A_43 = vector.extract %get3A_42[0, 0] : f32 from vector<1x1xf32>
    %add3A_44 = vector.broadcast %get3A_43 : f32 to vector<2048xf32>
    %add3A_45 = arith.addf %add3A_39, %add3A_44 : vector<2048xf32>
    %logistic3A = arith.negf %add3A_45 : vector<2048xf32>
    %logistic3A_46 = math.exp %logistic3A : vector<2048xf32>
    %logistic3A_47 = arith.constant 1.000000e+00 : f32
    %logistic3A_48 = vector.broadcast %logistic3A_47 : f32 to vector<2048xf32>
    %logistic3A_49 = arith.addf %logistic3A_48, %logistic3A_46 : vector<2048xf32>
    %logistic3A_50 = arith.divf %logistic3A_48, %logistic3A_49 : vector<2048xf32>
    %swap3A = arith.constant 0 : index
    %swap3A_51 = vector.load %arg5[%swap3A] : memref<2048xf32, #tpu.memory_space<vmem>>, vector<2048xf32>
    tpu.vector_store %arg5[%swap3A], %logistic3A_50 {strides = array<i32>} : memref<2048xf32, #tpu.memory_space<vmem>>, vector<2048xf32>,
    return
  }
  func.func @transform_0(%arg0: i32) -> (i32, i32) {
    %c0_i32 = arith.constant 0 : i32
    %c0_i32_0 = arith.constant 0 : i32
    return %arg0, %c0_i32 : i32, i32
  }
  func.func @transform_1(%arg0: i32) -> (i32, i32, i32) {
    %c0_i32 = arith.constant 0 : i32
    %c0_i32_0 = arith.constant 0 : i32
    %c0_i32_1 = arith.constant 0 : i32
    return %c0_i32, %c0_i32_0, %arg0 : i32, i32, i32
  }
  func.func @transform_2(%arg0: i32) -> (i32, i32) {
    %c0_i32 = arith.constant 0 : i32
    %c0_i32_0 = arith.constant 0 : i32
    %c0_i32_1 = arith.constant 0 : i32
    return %c0_i32, %c0_i32_0 : i32, i32
  }
  func.func @transform_3(%arg0: i32) -> (i32, i32) {
    %c0_i32 = arith.constant 0 : i32
    %c0_i32_0 = arith.constant 0 : i32
    %c0_i32_1 = arith.constant 0 : i32
    return %c0_i32, %c0_i32_0 : i32, i32
  }
  func.func @transform_4(%arg0: i32) -> i32 {
    %c0_i32 = arith.constant 0 : i32
    return %arg0 : i32
  }
}

</mosaic_0001>

<sc_bundles>
// kernel: kernel.4.cloned.1.call-start
scs
__scs_entry_jumppad:
0x0: {  	(pc) =	sbr.rel $0x88, $3  }
0x1: {  	(tag) =	ssettag $0x0;
	lr =	simm.s32 $0x1  }
0x2: {  	[smem:$0x3F9C] =	sst lr;
	_ =	strace $0xD0000000  }
0x3: {  	_ = 	snop  }
0x4: {  	_ = 	snop  }
0x5: {  	_ = 	snop  }
0x6: {  	_ = 	snop  }
0x7: {  	_ = 	snop  }
__scs_overlays_trampoline_lowered:
0x8: {  	[smem:$0x3FAB] =	sst s0  }
0x9: {  	[smem:$0x3FAC] =	sst s1  }
0xa: {  	[smem:$0x3FAD] =	sst s2  }
0xb: {  	[smem:$0x3FAE] =	sst s3  }
0xc: {  	[smem:$0x3FAF] =	sst s4  }
0xd: {  	[smem:$0x3FB0] =	sst s5  }
0xe: {  	[smem:$0x3FB1] =	sst s6  }
0xf: {  	[smem:$0x3FB2] =	sst s7  }
0x10: {  	[smem:$0x3FB3] =	sst s8  }
0x11: {  	[smem:$0x3FB4] =	sst s9;
	s0 =	simm.s32 @!p0 $0x0  }
0x12: {  	s1 =	sld [smem:$0x3F9A];
	s0 =	simm.s32 @p0 $0x1  }
0x13: {  	[smem:$0x3FB5] =	sst s0;
	s0 =	simm.s32 @!p1 $0x0  }
0x14: {  	s2 =	sld [smem:$0x3F99];
	s0 =	simm.s32 @p1 $0x1  }
0x15: {  	[smem:$0x3FB6] =	sst s0;
	s0 =	simm.s32 @!p2 $0x0  }
0x16: {  	s3 =	sld [smem:$0x3FDB];
	s0 =	simm.s32 @p2 $0x1  }
0x17: {  	s4 =	simm.s32 $0x1BF5;
	[smem:$0x3FB8] =	sst s0  }
0x18: {  	s0 =	sld [smem:$0x3F9B];
	_ =	swait.ge [sflag:s4], $0x0  }
0x19: {  	s7 =	sld [smem:$0x3F9C]  }
0x1a: {  	s8 =	sadd.s32 $0xFFFFE003, lr  }
0x1b: {  	s9 =	sadd.s32 $0xFFFFFEF7, lr;
	s5 =	simm.s32 $0xFFFFFFFF;
	p2 =	slt.u32 s8, $0xFFFFF086  }
0x1c: {  	p1 =	slt.u32 s9, $0xF7A;
	s5 =	simm.s32 @!p2 $0x0  }
0x1d: {  	s5 =	simm.s32 @p1 $0x1;
	p0 =	seq.s32 s7, s2  }
0x1e: {  	s7 =	smul.u32 @!p0 $0xF7A, s2;
	p2 =	seq.s32 @!p0 s5, $0x0  }
0x1f: {  	s9 =	smul.u32 $0xF7A, s1;
	s8 =	simm.s32 @!p0 $0x1BF5;
	p2 =	por !p2, p0  }
0x20: {  	[sflag:s8] =	ssyncset.s32 @!p0 $0xFFFFF086;
	s6 =	sadd.s32 @!p0 s3, s7;
	s7 =	simm.s32 @!p0 $0x108  }
0x21: {  	s3 =	sadd.s32 s3, s9;
	s6 =	sadd.s32 @!p0 $0x88, s6;
	s7 =	simm.s32 @p2 $0x1082  }
0x22: {  	[simem:s7], [sflag:s8] =	dma.local @!p0 [hbm:s6], $0xF7A  }
0x23: {  	s9 =	sor.u32 $0xD0000000, s2;
	s6 =	simm.s32 $0x108;
	_ =	swait.ge @!p0 [sflag:s8], $0x0  }
0x24: {  	s3 =	sadd.s32 $0x88, s3;
	s6 =	simm.s32 @!p1 $0x1082;
	[sflag:s4] =	ssyncset.s32 $0xFFFFF086  }
0x25: {  	[simem:s6], [sflag:s4] =	dma.local [hbm:s3], $0xF7A  }
0x26: {  	[smem:$0x3F9C] =	sst s1;
	(tag) =	ssettag s2;
	_ =	strace s9  }
0x27: {  	s1 =	sld [smem:$0x3FAC]  }
0x28: {  	s2 =	sld [smem:$0x3FAD]  }
0x29: {  	s4 =	sld [smem:$0x3FAF]  }
0x2a: {  	p0 =	seq.s32 s5, $0x0;
	s5 =	sld [smem:$0x3FB0]  }
0x2b: {  	s6 =	sld [smem:$0x3FB1]  }
0x2c: {  	s7 =	sld [smem:$0x3FB2]  }
0x2d: {  	s3 =	simm.s32 $0x108;
	s8 =	sld [smem:$0x3FB3]  }
0x2e: {  	s3 =	simm.s32 @!p0 $0x1082;
	s9 =	sld [smem:$0x3FB4]  }
0x2f: {  	lr =	sadd.s32 s0, s3;
	s0 =	sld [smem:$0x3FAB]  }
0x30: {  	s3 =	sld [smem:$0x3FAE]  }
0x31: {  	[smem:$0x3FB7] =	sst s10  }
0x32: {  	s10 =	sld [smem:$0x3FB5];
	_ =	sdelay $0x3  }
0x33: {  	p0 =	seq.s32 s10, $0x1;
	s10 =	sld [smem:$0x3FB7];
	_ =	sdelay $0x3  }
0x34: {  	[smem:$0x3FB7] =	sst s10  }
0x35: {  	s10 =	sld [smem:$0x3FB6];
	_ =	sdelay $0x3  }
0x36: {  	p1 =	seq.s32 s10, $0x1;
	s10 =	sld [smem:$0x3FB7];
	_ =	sdelay $0x3  }
0x37: {  	[smem:$0x3FB7] =	sst s10  }
0x38: {  	s10 =	sld [smem:$0x3FB8]  }
0x39: {  	_ = 	snop;
	(pc) =	sbr.ind lr, $3  }
0x3a: {  	_ = 	snop  }
0x3b: {  	_ = 	snop  }
0x3c: {  	p2 =	seq.s32 s10, $0x1;
	s10 =	sld [smem:$0x3FB7]  }
0x3d: {  	_ =	shalt  }
0x3e: {  	_ =	shalt  }
0x3f: {  	_ =	shalt  }
0x40: {  	_ =	shalt  }
0x41: {  	_ =	shalt  }
0x42: {  	_ =	shalt  }
0x43: {  	_ =	shalt  }
0x44: {  	_ =	shalt  }
0x45: {  	_ =	shalt  }
0x46: {  	_ =	shalt  }
0x47: {  	_ =	shalt  }
0x48: {  	_ =	shalt  }
0x49: {  	_ =	shalt  }
0x4a: {  	_ =	shalt  }
0x4b: {  	_ =	shalt  }
0x4c: {  	_ =	shalt  }
0x4d: {  	_ =	shalt  }
0x4e: {  	_ =	shalt  }
0x4f: {  	_ =	shalt  }
0x50: {  	_ =	shalt  }
0x51: {  	_ =	shalt  }
0x52: {  	_ =	shalt  }
0x53: {  	_ =	shalt  }
0x54: {  	_ =	shalt  }
0x55: {  	_ =	shalt  }
0x56: {  	_ =	shalt  }
0x57: {  	_ =	shalt  }
0x58: {  	_ =	shalt  }
0x59: {  	_ =	shalt  }
0x5a: {  	_ =	shalt  }
0x5b: {  	_ =	shalt  }
0x5c: {  	_ =	shalt  }
0x5d: {  	_ =	shalt  }
0x5e: {  	_ =	shalt  }
0x5f: {  	_ =	shalt  }
0x60: {  	_ =	shalt  }
0x61: {  	_ =	shalt  }
0x62: {  	_ =	shalt  }
0x63: {  	_ =	shalt  }
0x64: {  	_ =	shalt  }
0x65: {  	_ =	shalt  }
0x66: {  	_ =	shalt  }
0x67: {  	_ =	shalt  }
0x68: {  	_ =	shalt  }
0x69: {  	_ =	shalt  }
0x6a: {  	_ =	shalt  }
0x6b: {  	_ =	shalt  }
0x6c: {  	_ =	shalt  }
0x6d: {  	_ =	shalt  }
0x6e: {  	_ =	shalt  }
0x6f: {  	_ =	shalt  }
0x70: {  	_ =	shalt  }
0x71: {  	_ =	shalt  }
0x72: {  	_ =	shalt  }
0x73: {  	_ =	shalt  }
0x74: {  	_ =	shalt  }
0x75: {  	_ =	shalt  }
0x76: {  	_ =	shalt  }
0x77: {  	_ =	shalt  }
0x78: {  	_ =	shalt  }
0x79: {  	_ =	shalt  }
0x7a: {  	_ =	shalt  }
0x7b: {  	_ =	shalt  }
0x7c: {  	_ =	shalt  }
0x7d: {  	_ =	shalt  }
0x7e: {  	_ =	shalt  }
0x7f: {  	_ =	shalt  }
0x80: {  	_ =	shalt  }
0x81: {  	_ =	shalt  }
0x82: {  	_ =	shalt  }
0x83: {  	_ =	shalt  }
0x84: {  	_ =	shalt  }
0x85: {  	_ =	shalt  }
0x86: {  	_ =	shalt  }
0x87: {  	_ =	shalt  }
.Lfunc_end0:
.L_simem_size_0:
called_computation_lowered:
.L_overlay_start_0:
0x88: {  	s2 =	sld [smem:$0x3FD9]  }
0x89: {  	s3 =	sld [smem:$0x3FFE];
	_ =	sdelay $0x1  }
0x8a: {  	s1 =	srdreg.scid  }
0x8b: {  	s0 =	sand.u32 $0x1, s1  }
0x8c: {  	s17 =	sshll.u32 s0, $0xA;
	s2 =	sadd.s32 s3, s2  }
0x8d: {  	s2 =	sadd.s32 s2, s17  }
0x8e: {  	[smem:$0x3FC3] =	sst s2  }
0x8f: {  	_ = 	snop  }
0x90: {  	s2 =	sld [smem:$0x3FC9];
	(tm) =	ssettm $0x1  }
0x91: {  	s18 =	sld [smem:$0x3FFB];
	_ =	sdelay $0x3  }
0x92: {  	_ =	strace s18  }
0x93: {  	s3 =	sld [smem:$0x3FFC];
	_ =	sdelay $0x3  }
0x94: {  	_ =	strace s3  }
0x95: {  	s3 =	sld [smem:$0x3FFD];
	_ =	sdelay $0x3  }
0x96: {  	_ =	strace s3  }
0x97: {  	_ =	strace $0x8FFFFFFF  }
0x98: {  	s19 =	sld [smem:$0x3FDB];
	_ =	sdelay $0x1  }
0x99: {  	s4 =	simm.s32 $_scs_section_size  }
0x9a: {  	s5 =	simm.s32 $_size__tile_overlayer_lowered;
	s6 =	simm.s32 $_tile_overlayer_lowered  }
0x9b: {  	s22 =	simm.s32 $0x1BFF;
	s21 =	sshll.u32 s6, $0x1;
	s3 =	sadd.s32 s4, s19  }
0x9c: {  	s7 =	simm.s32 $0x0;
	s20 =	sshll.u32 s5, $0x1;
	s5 =	sadd.s32 s21, s3  }
0x9d: {  	[timem:s7], [sflag:s22] =	dma.local [hbm:s5], s20  }
0x9e: {  	_ =	swait.ge [sflag:s22], s20  }
0x9f: {  	s4 =	ssub.s32 $0x0, s20;
	[sflag:s22] =	ssyncset.done $0x0  }
0xa0: {  	[sflag:s22] =	ssyncadd.s32 s4;
	_ =	sdelay $0x1  }
0xa1: {  	s23 =	simm.s32 $0x1B8B  }
0xa2: {  	_ =	swait.ge [sflag:s23], $0x1  }
0xa3: {  	[sflag:s23] =	ssyncset.done $0x0  }
0xa4: {  	s25 =	simm.s32 $0x1B8E;
	s24 =	sld [smem:$0x3FFE];
	[sflag:s23] =	ssyncadd.s32 $0xFFFFFFFF  }
0xa5: {  	s26 =	simm.s32 $execute0_lowered;
	[smem:$0x3FD2] =	sst s25  }
0xa6: {  	s5 =	sshll.u32 s26, $0x1;
	_ =	strace $0x80000046;
	[dreg:$0x1] =	wrdreg $0xFFFFFFFF  }
0xa7: {  	s28 =	simm.s32 $_size_execute0_lowered;
	s3 =	sadd.s32 s3, s5;
	[dreg:$0x0] =	wrdreg $0x0  }
0xa8: {  	s5 =	sshll.u32 s28, $0x1;
	[dreg:$0x2] =	wrdreg s3  }
0xa9: {  	[dreg:$0x3] =	wrdreg s5  }
0xaa: {  	[dreg:$0x4] =	wrdreg $0xC0  }
0xab: {  	_ =	task [dreg:s7], $0x5FFFF  }
0xac: {  	[dreg:$0x1] =	wrdreg $0xFFFFFFFF  }
0xad: {  	[dreg:$0x0] =	wrdreg $0x60  }
0xae: {  	[dreg:$0x2] =	wrdreg s24  }
0xaf: {  	[dreg:$0x3] =	wrdreg s2  }
0xb0: {  	[dreg:$0x4] =	wrdreg $0x9  }
0xb1: {  	_ =	task.clear_ibuf [dreg:s7], $0x5FFFF;
	_ =	strace $0x90000046  }
0xb2: {  	s29 =	simm.s32 $0x9;
	_ =	strace $0x80000048  }
0xb3: {  	_ =	swait.ge [sflag:s29], $0x1  }
0xb4: {  	[sflag:s29] =	ssyncadd.s32 $0xFFFFFFFF  }
0xb5: {  	_ =	strace $0x90000048  }
0xb6: {  	_ =	sfence  }
0xb7: {  	s30 =	sld [smem:$0x0];
	_ =	sdelay $0x2  }
0xb8: {  	s31 =	sshll.u32 s1, $0xD;
	s1 =	sshrl.u32 s1, $0x2  }
0xb9: {  	s3 =	sand.u32 $0x4000, s31;
	s1 =	sadd.s32 s1, s30  }
0xba: {  	s0 =	sor.u32 s3, s0;
	s1 =	sshll.u32 s1, $0x11  }
0xbb: {  	s0 =	sor.u32 s1, s0  }
0xbc: {  	s0 =	sadd.s32 $0x8F2B, s0  }
0xbd: {  	[sflag:s0] =	ssyncadd.remote.s32 $0x1  }
0xbe: {  	_ =	sfence.sel $0xFFFF  }
0xbf: {  	[dreg:$0x0] =	wrdreg $0xFFFFFFFF;
	(pc) =	sbr.abs _section_cstart, $3  }
0xc0: {  	[dreg:$0x1] =	wrdreg $0xFFFFFFFF  }
0xc1: {  	_ =	task.clear_ibuf [dreg:s7], $0x2FFFF;
	_ =	strace $0x9FFFFFFF  }
0xc2: {  	(tm) =	ssettm $0x7FFFFFFF  }
0xc3: {  	_ =	shalt  }
tec
execute0_lowered:
.L_overlay_start_1:
0x0: {  	(tag) =	ssettag $0x1  }
0x1: {  	s4 =	rddreg [dreg:$0x0]  }
0x2: {  	s5 =	rddreg [dreg:$0x1]  }
0x3: {  	s0 =	rddreg [dreg:$0x2];
	s2 =	simm.s32 $0x0;
	s3 =	srdreg.scid  }
0x4: {  	s1 =	stileid.u32;
	s10 =	simm.s32 $0x0;
	s6 =	sand.u32 $0x1, s3  }
0x5: {  	[smem:$0x7FF] =	sst s2;
	s7 =	sshll.u32 s1, $0xA;
	s8 =	sshll.u32 s6, $0x9  }
0x6: {  	s3 =	sadd.s32 $0xA00, s4;
	s6 =	ssub.s32 $0x2, s6;
	s7 =	sor.u32 s8, s7  }
0x7: {  	_ =	strace $0x80000047;
	s9 =	sshrl.u32 s6, $0x1;
	s8 =	sshll.u32 s7, $0x4  }
0x8: {  	s7 =	sshrl.u32 s7, $0x3;
	s6 =	ssub.s32 s6, s9;
	s9 =	simm.s32 $0x200  }
0x9: {  	s8 =	sadd.s32 s8, s4;
	s4 =	sadd.s32 s5, s7;
	s6 =	smax.u32 s6, $0x1  }
0xa: {  	s7 =	simm.s32 $0x2;
	s5 =	sadd.s32 $0xF42E00, s8;
	s8 =	simm.s32 $0x1  }
.LBB2_1:
0xb: {  	[tilespmem:s2], [sflag:$0x2] =	stream.linear.gather [hbm4b:s4+s2], $0x200, $0x38;
	[tilespmem:$0x10200] =	vst v63  }
0xc: {  	_ =	swait.ge [sflag:s7], $0x200  }
0xd: {  	[sflag:s7] =	ssyncset.done $0x0  }
0xe: {  	[sflag:s7] =	ssyncadd.s32 $0xFFFFFE00  }
0xf: {  	v0 =	vld [tilespmem:s2+$0x0];
	_ =	sdelay $0x4  }
0x10: {  	v0 =	vshll.u32 v0, $0x4  }
0x11: {  	(v2sf) =	vpush v0, $0x0  }
0x12: {  	(v2sf) =	vpush v0, $0x1  }
0x13: {  	(v2sf) =	vpush v0, $0x2;
	_ =	sdelay $0x1  }
0x14: {  	(v2sf) =	vpush v0, $0x4;
	_ =	sdelay $0x1  }
0x15: {  	(v2sf) =	vpush v0, $0x3  }
0x16: {  	(v2sf) =	vpush v0, $0x5  }
0x17: {  	s12 =	simm.s32 $0x2000;
	s11 =	simm.s32 $0x0;
	s13 =	simm.s32 $0x0;
	(v2sf) =	vpush v0, $0x6  }
.LBB2_2:
0x18: {  	p0 =	sne.s32 s12, $0x3E000  }
0x19: {  	s23 =	sadd.s32 $0x280, s11;
	s17 =	sadd.s32 $0x780, s11;
	s14 =	smov.u32 s12  }
0x1a: {  	s12 =	sadd.s32 $0x2000, s12;
	s20 =	sadd.s32 $0x580, s11;
	s15 =	sadd.s32 $0x800, s11;
	(v2sf) =	vpush v0, $0x7  }
0x1b: {  	s22 =	sadd.s32 $0x480, s11;
	s19 =	sadd.s32 $0x600, s11;
	s16 =	sadd.s32 $0x880, s11  }
0x1c: {  	s24 =	sadd.s32 $0x200, s11;
	s25 =	sadd.s32 $0x400, s11;
	(v2sf) =	vpush v0, $0x8  }
0x1d: {  	s26 =	sadd.s32 $0x500, s11;
	s13 =	sadd.s32 $0x10, s13  }
0x1e: {  	s28 =	sadd.s32 $0x300, s11;
	s18 =	sadd.s32 $0x700, s11;
	s21 =	spop (v2sf);
	(v2sf) =	vpush v0, $0x9  }
0x1f: {  	s29 =	sand.u32 $0x1FFFFFF0, s21;
	s21 =	sadd.s32 $0x680, s11;
	s30 =	spop (v2sf)  }
0x20: {  	s29 =	sadd.s32 s3, s29;
	s30 =	sand.u32 $0x1FFFFFF0, s30;
	s31 =	spop (v2sf);
	(v2sf) =	vpush v0, $0xA  }
0x21: {  	[tilespmem:s24], [sflag:$0x1] =	stream.linear.gather [hbm4b:s29+s2], $0x80, $0x38;
	[tilespmem:$0x10200] =	vst v63  }
0x22: {  	s24 =	sadd.s32 s3, s30;
	s29 =	sadd.s32 $0x380, s11;
	s30 =	spop (v2sf);
	(v2sf) =	vpush v0, $0xB  }
0x23: {  	[tilespmem:s23], [sflag:$0x1] =	stream.linear.gather [hbm4b:s24+s2], $0x80, $0x38;
	[tilespmem:$0x10200] =	vst v63  }
0x24: {  	s23 =	sand.u32 $0x1FFFFFF0, s31;
	s24 =	sand.u32 $0x1FFFFFF0, s30;
	s30 =	spop (v2sf);
	(v2sf) =	vpush v0, $0xC  }
0x25: {  	s23 =	sadd.s32 s3, s23;
	s30 =	sand.u32 $0x1FFFFFF0, s30;
	s31 =	spop (v2sf)  }
0x26: {  	[tilespmem:s28], [sflag:$0x1] =	stream.linear.gather [hbm4b:s23+s2], $0x80, $0x38;
	(v2sf) =	vpush v0, $0xD;
	[tilespmem:$0x10200] =	vst v63  }
0x27: {  	s23 =	sadd.s32 s3, s30;
	s28 =	sand.u32 $0x1FFFFFF0, s31;
	s30 =	spop (v2sf)  }
0x28: {  	[tilespmem:s29], [sflag:$0x1] =	stream.linear.gather [hbm4b:s23+s2], $0x80, $0x38;
	(v2sf) =	vpush v0, $0xE;
	[tilespmem:$0x10200] =	vst v63  }
0x29: {  	s23 =	sadd.s32 s3, s24;
	s24 =	sand.u32 $0x1FFFFFF0, s30;
	s29 =	spop (v2sf)  }
0x2a: {  	[tilespmem:s25], [sflag:$0x1] =	stream.linear.gather [hbm4b:s23+s2], $0x80, $0x38;
	(v2sf) =	vpush v0, $0xF;
	[tilespmem:$0x10200] =	vst v63  }
0x2b: {  	s23 =	sadd.s32 s3, s28;
	s25 =	sand.u32 $0x1FFFFFF0, s29;
	s28 =	spop (v2sf)  }
0x2c: {  	[tilespmem:s22], [sflag:$0x1] =	stream.linear.gather [hbm4b:s23+s2], $0x80, $0x38;
	[tilespmem:$0x10200] =	vst v63  }
0x2d: {  	s22 =	sadd.s32 s3, s24;
	s23 =	sand.u32 $0x1FFFFFF0, s28;
	s24 =	spop (v2sf)  }
0x2e: {  	[tilespmem:s26], [sflag:$0x1] =	stream.linear.gather [hbm4b:s22+s2], $0x80, $0x38;
	[tilespmem:$0x10200] =	vst v63  }
0x2f: {  	s22 =	sadd.s32 s3, s25;
	s24 =	sand.u32 $0x1FFFFFF0, s24;
	s25 =	spop (v2sf)  }
0x30: {  	[tilespmem:s20], [sflag:$0x1] =	stream.linear.gather [hbm4b:s22+s2], $0x80, $0x38;
	[tilespmem:$0x10200] =	vst v63  }
0x31: {  	s20 =	sadd.s32 s3, s23;
	s22 =	sand.u32 $0x1FFFFFF0, s25;
	s23 =	spop (v2sf)  }
0x32: {  	[tilespmem:s19], [sflag:$0x1] =	stream.linear.gather [hbm4b:s20+s2], $0x80, $0x38;
	[tilespmem:$0x10200] =	vst v63  }
0x33: {  	s19 =	sadd.s32 s3, s24;
	s20 =	sand.u32 $0x1FFFFFF0, s23;
	s23 =	spop (v2sf)  }
0x34: {  	[tilespmem:s21], [sflag:$0x1] =	stream.linear.gather [hbm4b:s19+s2], $0x80, $0x38;
	[tilespmem:$0x10200] =	vst v63  }
0x35: {  	s19 =	sadd.s32 s3, s22;
	s21 =	sand.u32 $0x1FFFFFF0, s23;
	s22 =	spop (v2sf)  }
0x36: {  	[tilespmem:s18], [sflag:$0x1] =	stream.linear.gather [hbm4b:s19+s2], $0x80, $0x38;
	[tilespmem:$0x10200] =	vst v63  }
0x37: {  	s18 =	sadd.s32 s3, s20;
	s19 =	sand.u32 $0x1FFFFFF0, s22;
	s20 =	spop (v2sf)  }
0x38: {  	[tilespmem:s17], [sflag:$0x1] =	stream.linear.gather [hbm4b:s18+s2], $0x80, $0x38;
	[tilespmem:$0x10200] =	vst v63  }
0x39: {  	s17 =	sadd.s32 s3, s21;
	s18 =	sand.u32 $0x1FFFFFF0, s20;
	s20 =	spop (v2sf)  }
0x3a: {  	[tilespmem:s15], [sflag:$0x1] =	stream.linear.gather [hbm4b:s17+s2], $0x80, $0x38;
	[tilespmem:$0x10200] =	vst v63  }
0x3b: {  	s15 =	sadd.s32 s3, s19;
	s17 =	sand.u32 $0x1FFFFFF0, s20  }
0x3c: {  	[tilespmem:s16], [sflag:$0x1] =	stream.linear.gather [hbm4b:s15+s2], $0x80, $0x38;
	[tilespmem:$0x10200] =	vst v63  }
0x3d: {  	s15 =	sadd.s32 $0x900, s11;
	s16 =	sadd.s32 s3, s18  }
0x3e: {  	[tilespmem:s15], [sflag:$0x1] =	stream.linear.gather [hbm4b:s16+s2], $0x80, $0x38;
	[tilespmem:$0x10200] =	vst v63  }
0x3f: {  	s11 =	sadd.s32 $0x980, s11;
	s15 =	sadd.s32 s3, s17  }
0x40: {  	[tilespmem:s11], [sflag:$0x1] =	stream.linear.gather [hbm4b:s15+s2], $0x80, $0x38;
	[tilespmem:$0x10200] =	vst v63  }
0x41: {  	v0 =	vld [tilespmem:s13+$0x0];
	_ =	sdelay $0x4  }
0x42: {  	v0 =	vshll.u32 v0, $0x4  }
0x43: {  	(v2sf) =	vpush v0, $0x0  }
0x44: {  	(v2sf) =	vpush v0, $0x1  }
0x45: {  	(v2sf) =	vpush v0, $0x2;
	_ =	sdelay $0x1  }
0x46: {  	(v2sf) =	vpush v0, $0x4  }
.Ltmp0:
0x47: {  	(pc) =	sbr.rel @p0 .LBB2_2-.Ltmp0, $3  }
0x48: {  	(v2sf) =	vpush v0, $0x3  }
0x49: {  	(v2sf) =	vpush v0, $0x5;
	_ =	sdelay $0x1  }
0x4a: {  	s11 =	sshra.s32 s14, $0x2;
	(v2sf) =	vpush v0, $0x6  }
0x4b: {  	_ =	sdelay $0x1  }
0x4c: {  	s15 =	sadd.s32 $0x280, s11;
	s14 =	sadd.s32 $0x780, s11  }
0x4d: {  	s16 =	sadd.s32 $0x580, s11;
	s12 =	sadd.s32 $0x800, s11;
	(v2sf) =	vpush v0, $0x7;
	s17 =	sadd.s32 $0x480, s11  }
0x4e: {  	s18 =	sadd.s32 $0x600, s11;
	s13 =	sadd.s32 $0x880, s11;
	s19 =	sadd.s32 $0x200, s11  }
0x4f: {  	s20 =	sadd.s32 $0x400, s11;
	s21 =	sadd.s32 $0x500, s11;
	(v2sf) =	vpush v0, $0x8;
	s22 =	spop (v2sf)  }
0x50: {  	s23 =	sadd.s32 $0x300, s11;
	s22 =	sand.u32 $0x1FFFFFF0, s22;
	s24 =	spop (v2sf)  }
0x51: {  	(v2sf) =	vpush v0, $0x9;
	s22 =	sadd.s32 s3, s22;
	s24 =	sand.u32 $0x1FFFFFF0, s24;
	s25 =	spop (v2sf)  }
0x52: {  	[tilespmem:s19], [sflag:$0x1] =	stream.linear.gather [hbm4b:s22+s2], $0x80, $0x38;
	[tilespmem:$0x10200] =	vst v63  }
0x53: {  	s26 =	sadd.s32 $0x380, s11;
	(v2sf) =	vpush v0, $0xA;
	s30 =	sadd.s32 s3, s24;
	s31 =	spop (v2sf)  }
0x54: {  	[tilespmem:s15], [sflag:$0x1] =	stream.linear.gather [hbm4b:s30+s2], $0x80, $0x38;
	[tilespmem:$0x10200] =	vst v63  }
0x55: {  	s19 =	sadd.s32 $0x700, s11;
	s28 =	sand.u32 $0x1FFFFFF0, s25;
	(v2sf) =	vpush v0, $0xB;
	s29 =	spop (v2sf)  }
0x56: {  	s22 =	sadd.s32 s3, s28;
	s15 =	sadd.s32 $0x680, s11;
	s25 =	sand.u32 $0x1FFFFFF0, s29  }
0x57: {  	(v2sf) =	vpush v0, $0xC;
	[tilespmem:s23], [sflag:$0x1] =	stream.linear.gather [hbm4b:s22+s2], $0x80, $0x38;
	[tilespmem:$0x10200] =	vst v63  }
0x58: {  	s30 =	sand.u32 $0x1FFFFFF0, s31;
	s31 =	spop (v2sf);
	s28 =	sadd.s32 s3, s25  }
0x59: {  	(v2sf) =	vpush v0, $0xD;
	[tilespmem:s26], [sflag:$0x1] =	stream.linear.gather [hbm4b:s28+s2], $0x80, $0x38;
	[tilespmem:$0x10200] =	vst v63  }
0x5a: {  	s22 =	sadd.s32 s3, s30;
	s23 =	sand.u32 $0x1FFFFFF0, s31;
	s29 =	spop (v2sf)  }
0x5b: {  	(v2sf) =	vpush v0, $0xE;
	[tilespmem:s20], [sflag:$0x1] =	stream.linear.gather [hbm4b:s22+s2], $0x80, $0x38;
	[tilespmem:$0x10200] =	vst v63  }
0x5c: {  	s23 =	sadd.s32 s3, s23;
	s30 =	sand.u32 $0x1FFFFFF0, s29;
	s31 =	spop (v2sf)  }
0x5d: {  	(v2sf) =	vpush v0, $0xF;
	[tilespmem:s17], [sflag:$0x1] =	stream.linear.gather [hbm4b:s23+s2], $0x80, $0x38;
	[tilespmem:$0x10200] =	vst v63  }
0x5e: {  	s24 =	sand.u32 $0x1FFFFFF0, s31;
	s25 =	spop (v2sf);
	s20 =	sadd.s32 s3, s30  }
0x5f: {  	[tilespmem:s21], [sflag:$0x1] =	stream.linear.gather [hbm4b:s20+s2], $0x80, $0x38;
	[tilespmem:$0x10200] =	vst v63  }
0x60: {  	s26 =	sand.u32 $0x1FFFFFF0, s25;
	s17 =	sadd.s32 s3, s24;
	s28 =	spop (v2sf)  }
0x61: {  	[tilespmem:s16], [sflag:$0x1] =	stream.linear.gather [hbm4b:s17+s2], $0x80, $0x38;
	[tilespmem:$0x10200] =	vst v63  }
0x62: {  	s20 =	sadd.s32 s3, s26;
	s29 =	sand.u32 $0x1FFFFFF0, s28;
	s30 =	spop (v2sf)  }
0x63: {  	[tilespmem:s18], [sflag:$0x1] =	stream.linear.gather [hbm4b:s20+s2], $0x80, $0x38;
	[tilespmem:$0x10200] =	vst v63  }
0x64: {  	s17 =	sand.u32 $0x1FFFFFF0, s30;
	s16 =	sadd.s32 s3, s29;
	s31 =	spop (v2sf)  }
0x65: {  	[tilespmem:s15], [sflag:$0x1] =	stream.linear.gather [hbm4b:s16+s2], $0x80, $0x38;
	[tilespmem:$0x10200] =	vst v63  }
0x66: {  	s17 =	sadd.s32 s3, s17;
	s20 =	sand.u32 $0x1FFFFFF0, s31;
	s21 =	spop (v2sf)  }
0x67: {  	[tilespmem:s19], [sflag:$0x1] =	stream.linear.gather [hbm4b:s17+s2], $0x80, $0x38;
	[tilespmem:$0x10200] =	vst v63  }
0x68: {  	s15 =	sadd.s32 s3, s20;
	s16 =	sand.u32 $0x1FFFFFF0, s21;
	s22 =	spop (v2sf)  }
0x69: {  	[tilespmem:s14], [sflag:$0x1] =	stream.linear.gather [hbm4b:s15+s2], $0x80, $0x38;
	[tilespmem:$0x10200] =	vst v63  }
0x6a: {  	s23 =	sand.u32 $0x1FFFFFF0, s22;
	s16 =	sadd.s32 s3, s16;
	s24 =	spop (v2sf)  }
0x6b: {  	[tilespmem:s12], [sflag:$0x1] =	stream.linear.gather [hbm4b:s16+s2], $0x80, $0x38;
	[tilespmem:$0x10200] =	vst v63  }
0x6c: {  	s25 =	sand.u32 $0x1FFFFFF0, s24;
	s26 =	spop (v2sf);
	s14 =	sadd.s32 s3, s23  }
0x6d: {  	[tilespmem:s13], [sflag:$0x1] =	stream.linear.gather [hbm4b:s14+s2], $0x80, $0x38;
	[tilespmem:$0x10200] =	vst v63  }
0x6e: {  	s29 =	sadd.s32 $0x900, s11;
	s28 =	sand.u32 $0x1FFFFFF0, s26;
	s12 =	sadd.s32 s3, s25  }
0x6f: {  	[tilespmem:s29], [sflag:$0x1] =	stream.linear.gather [hbm4b:s12+s2], $0x80, $0x38;
	[tilespmem:$0x10200] =	vst v63  }
0x70: {  	s30 =	sadd.s32 $0x980, s11;
	s31 =	sadd.s32 s3, s28  }
0x71: {  	[tilespmem:s30], [sflag:$0x1] =	stream.linear.gather [hbm4b:s31+s2], $0x80, $0x38;
	[tilespmem:$0x10200] =	vst v63  }
0x72: {  	s10 =	sadd.s32 $0x1, s10;
	_ =	swait.ge [sflag:s8], $0x10000  }
0x73: {  	p0 =	sne.s32 s10, s6;
	[sflag:s8] =	ssyncset.done $0x0  }
.Ltmp1:
0x74: {  	[sflag:s8] =	ssyncadd.s32 $0xFFFF0000;
	(pc) =	sbr.rel @p0 .LBB2_1-.Ltmp1, $4  }
0x75: {  	[hbm4b:s5+s2] =	stream.linear.scatter [tilespmem:s9], [sflag:$0x2], $0x10000, $0x38;
	[tilespmem:$0x10200] =	vst v63  }
0x76: {  	_ =	swait.ge [sflag:s7], $0x10000  }
0x77: {  	[sflag:s7] =	ssyncset.done $0x0  }
0x78: {  	[sflag:s7] =	ssyncadd.s32 $0xFFFF0000  }
0x79: {  	_ =	sfence.sel $0x180000  }
0x7a: {  	[bflag:$0x0] =	sbarrier.arrive $0xFFFF  }
0x7b: {  	p0 =	sne.s32 s1, $0x0;
	_ =	strace $0x90000047  }
0x7c: {  	s0 =	sadd.s32 @!p0 $0x100000, s0;
	[bflag:$0x2] =	sbarrier.arrive $0xFFFF  }
0x7d: {  	[sflag:s0] =	ssyncadd.tile.s32 @!p0 $0x1;
	_ =	shalt  }
.Lfunc_end2:
_tile_overlayer_lowered:
.L_overlay_start_2:
0x7e: {  	(tag) =	ssettag $0x2  }
0x7f: {  	s0 =	rddreg [dreg:$0x0];
	s2 =	stileid.u32  }
0x80: {  	s1 =	rddreg [dreg:$0x1];
	p0 =	sne.s32 s2, $0x0  }
0x81: {  	s3 =	rddreg [dreg:$0x2];
	[bflag:$0x3] =	sbarrier.arrive $0xFFFF;
	s2 =	simm.s32 @!p0 $0x1C02  }
0x82: {  	[timem:s3], [sflag:s2] =	dma.local @!p0 [hbm:s0], s1  }
0x83: {  	s0 =	simm.s32 @!p0 $0x2  }
0x84: {  	_ =	swait.ge @!p0 [sflag:s0], s1  }
0x85: {  	s1 =	ssub.s32 @!p0 $0x0, s1;
	[sflag:s0] =	ssyncset.done @!p0 $0x0  }
0x86: {  	[sflag:s0] =	ssyncadd.s32 @!p0 s1  }
0x87: {  	[bflag:$0x3] =	sbarrier.arrive $0xFFFF  }
0x88: {  	_ =	shalt  }

</sc_bundles>
